<compile_context>
chip_gen: v7x
topology: tpu7x:2x2x1
jax: 0.10.2.dev20260603
libtpu: 0.0.44.dev20260713+nightly
codegen_flags: <defaults>
</compile_context>

<pallas_src>
import functools

import jax
import jax.numpy as jnp
from jax.experimental import pallas as pl
from jax.experimental.pallas import tpu as pltpu

DIM_ = 1024
E_ = 16
H_ = 4096
K_ = 2
B_ = 8
HCSZ = 1024
NHC = H_ // HCSZ


def _router_body(x_ref, wr_ref, br_ref, logits_ref, probs_ref, tki_ref, tkp_ref):
    xb = x_ref[...]
    lg = jnp.dot(xb, wr_ref[...], preferred_element_type=jnp.float32) + br_ref[...]
    logits_ref[...] = lg
    m = jnp.max(lg, axis=-1, keepdims=True)
    ex = jnp.exp(lg - m)
    pr = ex / jnp.sum(ex, axis=-1, keepdims=True)
    probs_ref[...] = pr
    lane = jax.lax.broadcasted_iota(jnp.int32, (B_, E_), 1)
    m1 = jnp.max(pr, axis=-1, keepdims=True)
    i1 = jnp.min(jnp.where(pr == m1, lane, E_), axis=-1, keepdims=True)
    pm = jnp.where(lane == i1, -jnp.inf, pr)
    m2 = jnp.max(pm, axis=-1, keepdims=True)
    i2 = jnp.min(jnp.where(pm == m2, lane, E_), axis=-1, keepdims=True)
    k_lane = jax.lax.broadcasted_iota(jnp.int32, (B_, K_), 1)
    tki_ref[...] = jnp.where(k_lane == 0, i1, i2)
    tkp_ref[...] = jnp.where(k_lane == 0, m1, m2)


def _ffn_body(sched_ref, x_ref, w1_ref, b1_ref, w2_ref, b2_ref, crow_ref, out_ref):
    hc = pl.program_id(0)
    i = pl.program_id(1)
    nact = sched_ref[E_]

    @pl.when((hc == 0) & (i == 0))
    def _init():
        out_ref[...] = jnp.zeros_like(out_ref)

    @pl.when(i < nact)
    def _compute():
        xb = x_ref[...]
        h = jnp.dot(xb, w1_ref[0], preferred_element_type=jnp.float32)
        h = h + b1_ref[0]
        g = 0.5 * h * (1.0 + jax.lax.erf(h * 0.7071067811865476))
        p = jnp.dot(g, w2_ref[0], preferred_element_type=jnp.float32)
        p = p + jnp.where(hc == 0, 1.0, 0.0) * b2_ref[0]
        lane = jax.lax.broadcasted_iota(jnp.int32, (B_, E_), 1)
        col = jnp.sum(jnp.where(lane == i, crow_ref[...], 0.0), axis=1,
                      keepdims=True)
        out_ref[...] = out_ref[...] + col * p


@functools.partial(jax.jit, static_argnums=())
def kernel(x, Wr, br, W1, b1, W2, b2):
    xf = x.reshape(B_, DIM_)
    logits, probs, tki, tkp = pl.pallas_call(
        _router_body,
        out_shape=(
            jax.ShapeDtypeStruct((B_, E_), jnp.float32),
            jax.ShapeDtypeStruct((B_, E_), jnp.float32),
            jax.ShapeDtypeStruct((B_, K_), jnp.int32),
            jax.ShapeDtypeStruct((B_, K_), jnp.float32),
        ),
    )(xf, Wr, br.reshape(1, E_))

    flat_e = tki.reshape(-1)
    flat_p = tkp.reshape(-1)
    tok = jnp.repeat(jnp.arange(B_, dtype=jnp.int32), K_)
    comb = jnp.zeros((B_, E_), jnp.float32).at[tok, flat_e].add(flat_p)
    active = jnp.zeros((E_,), jnp.bool_).at[flat_e].set(True)
    pos = jnp.cumsum(active.astype(jnp.int32)) - 1
    nact = jnp.sum(active.astype(jnp.int32))
    sched = jnp.zeros((E_,), jnp.int32).at[
        jnp.where(active, pos, E_)
    ].set(jnp.arange(E_, dtype=jnp.int32), mode="drop")
    sched = jnp.where(jnp.arange(E_) < nact, sched, sched[nact - 1])
    crowT = jnp.where(jnp.arange(E_)[None, :] < nact, comb[:, sched], 0.0)
    sched_arg = jnp.concatenate([sched, nact[None]])

    grid_spec = pltpu.PrefetchScalarGridSpec(
        num_scalar_prefetch=1,
        grid=(NHC, E_),
        in_specs=[
            pl.BlockSpec((B_, DIM_), lambda hc, i, s: (0, 0)),
            pl.BlockSpec((1, DIM_, HCSZ), lambda hc, i, s: (s[i], 0, hc)),
            pl.BlockSpec((1, 1, HCSZ), lambda hc, i, s: (s[i], 0, hc)),
            pl.BlockSpec((1, HCSZ, DIM_), lambda hc, i, s: (s[i], hc, 0)),
            pl.BlockSpec((1, 1, DIM_), lambda hc, i, s: (s[i], 0, 0)),
            pl.BlockSpec((B_, E_), lambda hc, i, s: (0, 0)),
        ],
        out_specs=pl.BlockSpec((B_, DIM_), lambda hc, i, s: (0, 0)),
    )
    mixed = pl.pallas_call(
        _ffn_body,
        grid_spec=grid_spec,
        out_shape=jax.ShapeDtypeStruct((B_, DIM_), jnp.float32),
    )(sched_arg, xf, W1, b1.reshape(E_, 1, H_), W2, b2.reshape(E_, 1, DIM_), crowT)

    return (
        mixed.reshape(B_, 1, DIM_),
        logits.reshape(B_, 1, E_),
        probs.reshape(B_, 1, E_),
        tki.reshape(B_, 1, K_),
        tkp.reshape(B_, 1, K_),
    )

# --- scband reference (transcript-rebuilt; emitter-appended) ---
"""Pipeline reference for scband-specific-mo-e-63702954934785 (READ-ONLY COPY).

The authoritative reference and input builder live on the scoring server;
editing this copy changes nothing except your own understanding.
"""

import jax, jax.numpy as jnp
import numpy as np

DIM = 1024
E = 16
H = 4096
K = 2


def setup_inputs(seed: int = 0) -> dict:
    key = jax.random.key(seed)
    ks = jax.random.split(key, 8)
    x = jax.random.normal(ks[0], (8, 1, DIM), dtype=jnp.float32)
    Wr = jax.random.normal(ks[1], (DIM, E), dtype=jnp.float32) * 0.02
    br = jnp.zeros((E,), dtype=jnp.float32)
    W1 = jax.random.normal(ks[2], (E, DIM, H), dtype=jnp.float32) * 0.02
    b1 = jnp.zeros((E, H), dtype=jnp.float32)
    W2 = jax.random.normal(ks[3], (E, H, DIM), dtype=jnp.float32) * 0.02
    b2 = jnp.zeros((E, DIM), dtype=jnp.float32)
    return {"x": x, "Wr": Wr, "br": br, "W1": W1, "b1": b1, "W2": W2, "b2": b2}


def reference(x, Wr, br, W1, b1, W2, b2):
    # router: g_x = W_e x
    logits = jnp.einsum('bsd,de->bse', x, Wr) + br  # [B, S, E]
    probabilities = jax.nn.softmax(logits, axis=-1)
    topk_probabilities, topk_indices = jax.lax.top_k(probabilities, K)  # [B, S, K]
    # dense expert computation: all experts applied to every token, stacked on axis 2
    h = jnp.einsum('bsd,edh->bseh', x, W1) + b1  # [B, S, E, H]
    h = jax.nn.gelu(h, approximate=False)  # torch nn.GELU default (exact erf)
    expert_outputs = jnp.einsum('bseh,ehd->bsed', h, W2) + b2  # [B, S, E, D]
    # gather selected experts along expert axis
    selected = jnp.take_along_axis(expert_outputs, topk_indices[..., None], axis=2)  # [B, S, K, D]
    mixed = jnp.sum(topk_probabilities[..., None] * selected, axis=2)  # [B, S, D]
    return (mixed, logits, probabilities, topk_indices, topk_probabilities)

if __name__ == "__main__":
    import jax
    _d = setup_inputs()
    print(jax.jit(kernel)(*tuple(_d.values())))

</pallas_src>

<mosaic_0001>
module attributes {stable_mosaic.version = 14 : i64} {
  func.func @_router_body(%arg0: memref<8x1024xf32, #tpu.memory_space<vmem>>, %arg1: memref<1024x16xf32, #tpu.memory_space<vmem>>, %arg2: memref<1x16xf32, #tpu.memory_space<vmem>>, %arg3: memref<8x16xf32, #tpu.memory_space<vmem>>, %arg4: memref<8x16xf32, #tpu.memory_space<vmem>>, %arg5: memref<8x2xi32, #tpu.memory_space<vmem>>, %arg6: memref<8x2xf32, #tpu.memory_space<vmem>>) attributes {dimension_semantics = [], scalar_prefetch = 0 : i64, scratch_operands = 0 : i64, tpu.core_type = #tpu.core_type<tc>} {
    %get3A = arith.constant 0 : index
    %get3A_0 = arith.constant 0 : index
    %get3A_1 = vector.load %arg0[%get3A, %get3A_0] : memref<8x1024xf32, #tpu.memory_space<vmem>>, vector<8x1024xf32>
    %get3A_2 = arith.constant 0 : index
    %get3A_3 = arith.constant 0 : index
    %get3A_4 = vector.load %arg1[%get3A_2, %get3A_3] : memref<1024x16xf32, #tpu.memory_space<vmem>>, vector<1024x16xf32>
    %dot_general3A = arith.constant dense<0.000000e+00> : vector<8x16xf32>
    %dot_general3A_5 = tpu.matmul %get3A_1, %get3A_4, %dot_general3A {dimension_numbers = #tpu.dot_dimension_numbers<[1], [0], [0], [1], [0, 0, 1, 1], [], []>, transpose_lhs_hint = false} : vector<8x1024xf32>, vector<1024x16xf32>, vector<8x16xf32> -> vector<8x16xf32>
    %get3A_6 = arith.constant 0 : index
    %get3A_7 = arith.constant 0 : index
    %get3A_8 = vector.load %arg2[%get3A_6, %get3A_7] : memref<1x16xf32, #tpu.memory_space<vmem>>, vector<1x16xf32>
    %add3A = vector.broadcast %get3A_8 : vector<1x16xf32> to vector<8x16xf32>
    %add3A_9 = arith.addf %dot_general3A_5, %add3A : vector<8x16xf32>
    %swap3A = arith.constant 0 : index
    %swap3A_10 = arith.constant 0 : index
    %swap3A_11 = vector.load %arg3[%swap3A, %swap3A_10] : memref<8x16xf32, #tpu.memory_space<vmem>>, vector<8x16xf32>
    tpu.vector_store %arg3[%swap3A, %swap3A_10], %add3A_9 {strides = array<i32>} : memref<8x16xf32, #tpu.memory_space<vmem>>, vector<8x16xf32>,
    %reduce_max3A = arith.constant dense<0xFF800000> : vector<8xf32>
    %reduce_max3A_12 = vector.multi_reduction <maximumf>, %add3A_9, %reduce_max3A [1] : vector<8x16xf32> to vector<8xf32>
    %broadcast_in_dim3A = vector.shape_cast %reduce_max3A_12 : vector<8xf32> to vector<8x1xf32>
    %sub3A = vector.broadcast %broadcast_in_dim3A : vector<8x1xf32> to vector<8x16xf32>
    %sub3A_13 = arith.subf %add3A_9, %sub3A : vector<8x16xf32>
    %exp3A = math.exp %sub3A_13 : vector<8x16xf32>
    %reduce_sum3A = arith.constant dense<0.000000e+00> : vector<8xf32>
    %reduce_sum3A_14 = vector.multi_reduction <add>, %exp3A, %reduce_sum3A [1] : vector<8x16xf32> to vector<8xf32>
    %broadcast_in_dim3A_15 = vector.shape_cast %reduce_sum3A_14 : vector<8xf32> to vector<8x1xf32>
    %div3A = vector.broadcast %broadcast_in_dim3A_15 : vector<8x1xf32> to vector<8x16xf32>
    %div3A_16 = arith.divf %exp3A, %div3A : vector<8x16xf32>
    %swap3A_17 = arith.constant 0 : index
    %swap3A_18 = arith.constant 0 : index
    %swap3A_19 = vector.load %arg4[%swap3A_17, %swap3A_18] : memref<8x16xf32, #tpu.memory_space<vmem>>, vector<8x16xf32>
    tpu.vector_store %arg4[%swap3A_17, %swap3A_18], %div3A_16 {strides = array<i32>} : memref<8x16xf32, #tpu.memory_space<vmem>>, vector<8x16xf32>,
    %iota3A = tpu.iota {dimensions = array<i32: 1>} : vector<8x16xi32>
    %reduce_max3A_20 = arith.constant dense<0xFF800000> : vector<8xf32>
    %reduce_max3A_21 = vector.multi_reduction <maximumf>, %div3A_16, %reduce_max3A_20 [1] : vector<8x16xf32> to vector<8xf32>
    %broadcast_in_dim3A_22 = vector.shape_cast %reduce_max3A_21 : vector<8xf32> to vector<8x1xf32>
    %eq3A = vector.broadcast %broadcast_in_dim3A_22 : vector<8x1xf32> to vector<8x16xf32>
    %eq3A_23 = arith.cmpf oeq, %div3A_16, %eq3A : vector<8x16xf32>
    %jit3A = arith.constant 16 : i32
    %broadcast_in_dim3A_24 = vector.broadcast %jit3A : i32 to vector<8x16xi32>
    %select_n3A = arith.select %eq3A_23, %iota3A, %broadcast_in_dim3A_24 : vector<8x16xi1>, vector<8x16xi32>
    %reduce_min3A = arith.constant dense<2147483647> : vector<8xi32>
    %reduce_min3A_25 = vector.multi_reduction <minsi>, %select_n3A, %reduce_min3A [1] : vector<8x16xi32> to vector<8xi32>
    %broadcast_in_dim3A_26 = vector.shape_cast %reduce_min3A_25 : vector<8xi32> to vector<8x1xi32>
    %eq3A_27 = vector.broadcast %broadcast_in_dim3A_26 : vector<8x1xi32> to vector<8x16xi32>
    %eq3A_28 = arith.cmpi eq, %iota3A, %eq3A_27 : vector<8x16xi32>
    %jit3A_29 = arith.constant 0xFF800000 : f32
    %broadcast_in_dim3A_30 = vector.broadcast %jit3A_29 : f32 to vector<8x16xf32>
    %select_n3A_31 = arith.select %eq3A_28, %broadcast_in_dim3A_30, %div3A_16 : vector<8x16xi1>, vector<8x16xf32>
    %reduce_max3A_32 = arith.constant dense<0xFF800000> : vector<8xf32>
    %reduce_max3A_33 = vector.multi_reduction <maximumf>, %select_n3A_31, %reduce_max3A_32 [1] : vector<8x16xf32> to vector<8xf32>
    %broadcast_in_dim3A_34 = vector.shape_cast %reduce_max3A_33 : vector<8xf32> to vector<8x1xf32>
    %eq3A_35 = vector.broadcast %broadcast_in_dim3A_34 : vector<8x1xf32> to vector<8x16xf32>
    %eq3A_36 = arith.cmpf oeq, %select_n3A_31, %eq3A_35 : vector<8x16xf32>
    %jit3A_37 = arith.constant 16 : i32
    %broadcast_in_dim3A_38 = vector.broadcast %jit3A_37 : i32 to vector<8x16xi32>
    %select_n3A_39 = arith.select %eq3A_36, %iota3A, %broadcast_in_dim3A_38 : vector<8x16xi1>, vector<8x16xi32>
    %reduce_min3A_40 = arith.constant dense<2147483647> : vector<8xi32>
    %reduce_min3A_41 = vector.multi_reduction <minsi>, %select_n3A_39, %reduce_min3A_40 [1] : vector<8x16xi32> to vector<8xi32>
    %broadcast_in_dim3A_42 = vector.shape_cast %reduce_min3A_41 : vector<8xi32> to vector<8x1xi32>
    %iota3A_43 = tpu.iota {dimensions = array<i32: 1>} : vector<8x2xi32>
    %eq3A_44 = arith.constant 0 : i32
    %eq3A_45 = vector.broadcast %eq3A_44 : i32 to vector<8x2xi32>
    %eq3A_46 = arith.cmpi eq, %iota3A_43, %eq3A_45 : vector<8x2xi32>
    %broadcast_in_dim3A_47 = vector.shape_cast %broadcast_in_dim3A_26 : vector<8x1xi32> to vector<8x1xi32>
    %broadcast_in_dim3A_48 = vector.broadcast %broadcast_in_dim3A_47 : vector<8x1xi32> to vector<8x2xi32>
    %broadcast_in_dim3A_49 = vector.shape_cast %broadcast_in_dim3A_42 : vector<8x1xi32> to vector<8x1xi32>
    %broadcast_in_dim3A_50 = vector.broadcast %broadcast_in_dim3A_49 : vector<8x1xi32> to vector<8x2xi32>
    %select_n3A_51 = arith.select %eq3A_46, %broadcast_in_dim3A_48, %broadcast_in_dim3A_50 : vector<8x2xi1>, vector<8x2xi32>
    %swap3A_52 = arith.constant 0 : index
    %swap3A_53 = arith.constant 0 : index
    %swap3A_54 = vector.load %arg5[%swap3A_52, %swap3A_53] : memref<8x2xi32, #tpu.memory_space<vmem>>, vector<8x2xi32>
    tpu.vector_store %arg5[%swap3A_52, %swap3A_53], %select_n3A_51 {strides = array<i32>} : memref<8x2xi32, #tpu.memory_space<vmem>>, vector<8x2xi32>,
    %eq3A_55 = arith.constant 0 : i32
    %eq3A_56 = vector.broadcast %eq3A_55 : i32 to vector<8x2xi32>
    %eq3A_57 = arith.cmpi eq, %iota3A_43, %eq3A_56 : vector<8x2xi32>
    %broadcast_in_dim3A_58 = vector.shape_cast %broadcast_in_dim3A_22 : vector<8x1xf32> to vector<8x1xf32>
    %broadcast_in_dim3A_59 = vector.broadcast %broadcast_in_dim3A_58 : vector<8x1xf32> to vector<8x2xf32>
    %broadcast_in_dim3A_60 = vector.shape_cast %broadcast_in_dim3A_34 : vector<8x1xf32> to vector<8x1xf32>
    %broadcast_in_dim3A_61 = vector.broadcast %broadcast_in_dim3A_60 : vector<8x1xf32> to vector<8x2xf32>
    %select_n3A_62 = arith.select %eq3A_57, %broadcast_in_dim3A_59, %broadcast_in_dim3A_61 : vector<8x2xi1>, vector<8x2xf32>
    %swap3A_63 = arith.constant 0 : index
    %swap3A_64 = arith.constant 0 : index
    %swap3A_65 = vector.load %arg6[%swap3A_63, %swap3A_64] : memref<8x2xf32, #tpu.memory_space<vmem>>, vector<8x2xf32>
    tpu.vector_store %arg6[%swap3A_63, %swap3A_64], %select_n3A_62 {strides = array<i32>} : memref<8x2xf32, #tpu.memory_space<vmem>>, vector<8x2xf32>,
    return
  }
}

module attributes {stable_mosaic.version = 14 : i64} {
  func.func @_ffn_body(%arg0: i32, %arg1: i32, %arg2: memref<17xi32, #tpu.memory_space<smem>>, %arg3: memref<8x1024xf32, #tpu.memory_space<vmem>>, %arg4: memref<1x1024x1024xf32, #tpu.memory_space<vmem>>, %arg5: memref<1x1x1024xf32, #tpu.memory_space<vmem>>, %arg6: memref<1x1024x1024xf32, #tpu.memory_space<vmem>>, %arg7: memref<1x1x1024xf32, #tpu.memory_space<vmem>>, %arg8: memref<8x16xf32, #tpu.memory_space<vmem>>, %arg9: memref<8x1024xf32, #tpu.memory_space<vmem>>) attributes {dimension_semantics = [#tpu.dimension_semantics<arbitrary>, #tpu.dimension_semantics<arbitrary>], iteration_bounds = array<i64: 4, 16>, scalar_prefetch = 1 : i64, scratch_operands = 0 : i64, tpu.core_type = #tpu.core_type<tc>, window_params = [{pipeline_mode = #tpu.pipeline_mode<synchronous>, transform_indices = @transform_0, window_bounds = array<i64: 8, 1024>}, {transform_indices = @transform_1, window_bounds = array<i64: 1, 1024, 1024>}, {transform_indices = @transform_2, window_bounds = array<i64: 1, 1, 1024>}, {transform_indices = @transform_3, window_bounds = array<i64: 1, 1024, 1024>}, {transform_indices = @transform_4, window_bounds = array<i64: 1, 1, 1024>}, {pipeline_mode = #tpu.pipeline_mode<synchronous>, transform_indices = @transform_5, window_bounds = array<i64: 8, 16>}, {pipeline_mode = #tpu.pipeline_mode<synchronous>, transform_indices = @transform_6, window_bounds = array<i64: 8, 1024>}]} {
    %get3A = arith.constant 16 : index
    %get3A_0 = memref.load %arg2[%get3A] : memref<17xi32, #tpu.memory_space<smem>>
    %eq3A = arith.constant 0 : i32
    %eq3A_1 = arith.cmpi eq, %arg0, %eq3A : i32
    %eq3A_2 = arith.constant 0 : i32
    %eq3A_3 = arith.cmpi eq, %arg1, %eq3A_2 : i32
    %and3A = arith.andi %eq3A_1, %eq3A_3 : i1
    %convert_element_type3A = arith.extui %and3A : i1 to i32
    %cond3A = arith.constant 0 : i32
    %cond3A_4 = arith.cmpi ne, %convert_element_type3A, %cond3A : i32
    scf.if %cond3A_4 {
      %broadcast_in_dim3A = arith.constant 0.000000e+00 : f32
      %broadcast_in_dim3A_8 = vector.broadcast %broadcast_in_dim3A : f32 to vector<8x1024xf32>
      %swap3A = arith.constant 0 : index
      %swap3A_9 = arith.constant 0 : index
      %swap3A_10 = vector.load %arg9[%swap3A, %swap3A_9] : memref<8x1024xf32, #tpu.memory_space<vmem>>, vector<8x1024xf32>
      tpu.vector_store %arg9[%swap3A, %swap3A_9], %broadcast_in_dim3A_8 {strides = array<i32>} : memref<8x1024xf32, #tpu.memory_space<vmem>>, vector<8x1024xf32>,
    } else {
    }
    %lt3A = arith.cmpi slt, %arg1, %get3A_0 : i32
    %convert_element_type3A_5 = arith.extui %lt3A : i1 to i32
    %cond3A_6 = arith.constant 0 : i32
    %cond3A_7 = arith.cmpi ne, %convert_element_type3A_5, %cond3A_6 : i32
    scf.if %cond3A_7 {
      %get3A_8 = arith.constant 0 : index
      %get3A_9 = arith.constant 0 : index
      %get3A_10 = vector.load %arg3[%get3A_8, %get3A_9] : memref<8x1024xf32, #tpu.memory_space<vmem>>, vector<8x1024xf32>
      %get3A_11 = arith.constant 0 : index
      %get3A_12 = arith.constant 0 : index
      %get3A_13 = arith.constant 0 : index
      %get3A_14 = vector.load %arg4[%get3A_11, %get3A_12, %get3A_13] : memref<1x1024x1024xf32, #tpu.memory_space<vmem>>, vector<1x1024x1024xf32>
      %get3A_15 = vector.shape_cast %get3A_14 : vector<1x1024x1024xf32> to vector<1024x1024xf32>
      %dot_general3A = arith.constant dense<0.000000e+00> : vector<8x1024xf32>
      %dot_general3A_16 = tpu.matmul %get3A_10, %get3A_15, %dot_general3A {dimension_numbers = #tpu.dot_dimension_numbers<[1], [0], [0], [1], [0, 0, 1, 1], [], []>, transpose_lhs_hint = false} : vector<8x1024xf32>, vector<1024x1024xf32>, vector<8x1024xf32> -> vector<8x1024xf32>
      %get3A_17 = arith.constant 0 : index
      %get3A_18 = arith.constant 0 : index
      %get3A_19 = arith.constant 0 : index
      %get3A_20 = vector.load %arg5[%get3A_17, %get3A_18, %get3A_19] : memref<1x1x1024xf32, #tpu.memory_space<vmem>>, vector<1x1x1024xf32>
      %get3A_21 = vector.shape_cast %get3A_20 : vector<1x1x1024xf32> to vector<1x1024xf32>
      %add3A = vector.broadcast %get3A_21 : vector<1x1024xf32> to vector<8x1024xf32>
      %add3A_22 = arith.addf %dot_general3A_16, %add3A : vector<8x1024xf32>
      %mul3A = arith.constant 5.000000e-01 : f32
      %mul3A_23 = vector.broadcast %mul3A : f32 to vector<8x1024xf32>
      %mul3A_24 = arith.mulf %mul3A_23, %add3A_22 : vector<8x1024xf32>
      %mul3A_25 = arith.constant 0.707106769 : f32
      %mul3A_26 = vector.broadcast %mul3A_25 : f32 to vector<8x1024xf32>
      %mul3A_27 = arith.mulf %add3A_22, %mul3A_26 : vector<8x1024xf32>
      %erf3A = math.erf %mul3A_27 : vector<8x1024xf32>
      %add3A_28 = arith.constant 1.000000e+00 : f32
      %add3A_29 = vector.broadcast %add3A_28 : f32 to vector<8x1024xf32>
      %add3A_30 = arith.addf %add3A_29, %erf3A : vector<8x1024xf32>
      %mul3A_31 = arith.mulf %mul3A_24, %add3A_30 : vector<8x1024xf32>
      %get3A_32 = arith.constant 0 : index
      %get3A_33 = arith.constant 0 : index
      %get3A_34 = arith.constant 0 : index
      %get3A_35 = vector.load %arg6[%get3A_32, %get3A_33, %get3A_34] : memref<1x1024x1024xf32, #tpu.memory_space<vmem>>, vector<1x1024x1024xf32>
      %get3A_36 = vector.shape_cast %get3A_35 : vector<1x1024x1024xf32> to vector<1024x1024xf32>
      %dot_general3A_37 = arith.constant dense<0.000000e+00> : vector<8x1024xf32>
      %dot_general3A_38 = tpu.matmul %mul3A_31, %get3A_36, %dot_general3A_37 {dimension_numbers = #tpu.dot_dimension_numbers<[1], [0], [0], [1], [0, 0, 1, 1], [], []>, transpose_lhs_hint = false} : vector<8x1024xf32>, vector<1024x1024xf32>, vector<8x1024xf32> -> vector<8x1024xf32>
      %eq3A_39 = arith.constant 0 : i32
      %eq3A_40 = arith.cmpi eq, %arg0, %eq3A_39 : i32
      %jit3A = arith.constant 1.000000e+00 : f32
      %jit3A_41 = arith.constant 0.000000e+00 : f32
      %select_n3A = arith.select %eq3A_40, %jit3A, %jit3A_41 : f32
      %get3A_42 = arith.constant 0 : index
      %get3A_43 = arith.constant 0 : index
      %get3A_44 = arith.constant 0 : index
      %get3A_45 = vector.load %arg7[%get3A_42, %get3A_43, %get3A_44] : memref<1x1x1024xf32, #tpu.memory_space<vmem>>, vector<1x1x1024xf32>
      %get3A_46 = vector.shape_cast %get3A_45 : vector<1x1x1024xf32> to vector<1x1024xf32>
      %mul3A_47 = vector.broadcast %select_n3A : f32 to vector<1x1024xf32>
      %mul3A_48 = arith.mulf %mul3A_47, %get3A_46 : vector<1x1024xf32>
      %add3A_49 = vector.broadcast %mul3A_48 : vector<1x1024xf32> to vector<8x1024xf32>
      %add3A_50 = arith.addf %dot_general3A_38, %add3A_49 : vector<8x1024xf32>
      %iota3A = tpu.iota {dimensions = array<i32: 1>} : vector<8x16xi32>
      %eq3A_51 = vector.broadcast %arg1 : i32 to vector<8x16xi32>
      %eq3A_52 = arith.cmpi eq, %iota3A, %eq3A_51 : vector<8x16xi32>
      %get3A_53 = arith.constant 0 : index
      %get3A_54 = arith.constant 0 : index
      %get3A_55 = vector.load %arg8[%get3A_53, %get3A_54] : memref<8x16xf32, #tpu.memory_space<vmem>>, vector<8x16xf32>
      %jit3A_56 = arith.constant 0.000000e+00 : f32
      %broadcast_in_dim3A = vector.broadcast %jit3A_56 : f32 to vector<8x16xf32>
      %select_n3A_57 = arith.select %eq3A_52, %get3A_55, %broadcast_in_dim3A : vector<8x16xi1>, vector<8x16xf32>
      %reduce_sum3A = arith.constant dense<0.000000e+00> : vector<8xf32>
      %reduce_sum3A_58 = vector.multi_reduction <add>, %select_n3A_57, %reduce_sum3A [1] : vector<8x16xf32> to vector<8xf32>
      %broadcast_in_dim3A_59 = vector.shape_cast %reduce_sum3A_58 : vector<8xf32> to vector<8x1xf32>
      %get3A_60 = arith.constant 0 : index
      %get3A_61 = arith.constant 0 : index
      %get3A_62 = vector.load %arg9[%get3A_60, %get3A_61] : memref<8x1024xf32, #tpu.memory_space<vmem>>, vector<8x1024xf32>
      %mul3A_63 = vector.broadcast %broadcast_in_dim3A_59 : vector<8x1xf32> to vector<8x1024xf32>
      %mul3A_64 = arith.mulf %mul3A_63, %add3A_50 : vector<8x1024xf32>
      %add3A_65 = arith.addf %get3A_62, %mul3A_64 : vector<8x1024xf32>
      %swap3A = arith.constant 0 : index
      %swap3A_66 = arith.constant 0 : index
      %swap3A_67 = vector.load %arg9[%swap3A, %swap3A_66] : memref<8x1024xf32, #tpu.memory_space<vmem>>, vector<8x1024xf32>
      tpu.vector_store %arg9[%swap3A, %swap3A_66], %add3A_65 {strides = array<i32>} : memref<8x1024xf32, #tpu.memory_space<vmem>>, vector<8x1024xf32>,
    } else {
    }
    return
  }
  func.func @transform_0(%arg0: i32, %arg1: i32, %arg2: memref<17xi32, #tpu.memory_space<smem>>) -> (i32, i32) {
    %c0_i32 = arith.constant 0 : i32
    %c0_i32_0 = arith.constant 0 : i32
    %c0_i32_1 = arith.constant 0 : i32
    return %c0_i32, %c0_i32_0 : i32, i32
  }
  func.func @transform_1(%arg0: i32, %arg1: i32, %arg2: memref<17xi32, #tpu.memory_space<smem>>) -> (i32, i32, i32) {
    %get3A = arith.index_cast %arg1 : i32 to index
    %get3A_0 = memref.load %arg2[%get3A] : memref<17xi32, #tpu.memory_space<smem>>
    %c0_i32 = arith.constant 0 : i32
    %c0_i32_1 = arith.constant 0 : i32
    return %get3A_0, %c0_i32, %arg0 : i32, i32, i32
  }
  func.func @transform_2(%arg0: i32, %arg1: i32, %arg2: memref<17xi32, #tpu.memory_space<smem>>) -> (i32, i32, i32) {
    %get3A = arith.index_cast %arg1 : i32 to index
    %get3A_0 = memref.load %arg2[%get3A] : memref<17xi32, #tpu.memory_space<smem>>
    %c0_i32 = arith.constant 0 : i32
    %c0_i32_1 = arith.constant 0 : i32
    return %get3A_0, %c0_i32, %arg0 : i32, i32, i32
  }
  func.func @transform_3(%arg0: i32, %arg1: i32, %arg2: memref<17xi32, #tpu.memory_space<smem>>) -> (i32, i32, i32) {
    %get3A = arith.index_cast %arg1 : i32 to index
    %get3A_0 = memref.load %arg2[%get3A] : memref<17xi32, #tpu.memory_space<smem>>
    %c0_i32 = arith.constant 0 : i32
    %c0_i32_1 = arith.constant 0 : i32
    return %get3A_0, %arg0, %c0_i32 : i32, i32, i32
  }
  func.func @transform_4(%arg0: i32, %arg1: i32, %arg2: memref<17xi32, #tpu.memory_space<smem>>) -> (i32, i32, i32) {
    %get3A = arith.index_cast %arg1 : i32 to index
    %get3A_0 = memref.load %arg2[%get3A] : memref<17xi32, #tpu.memory_space<smem>>
    %c0_i32 = arith.constant 0 : i32
    %c0_i32_1 = arith.constant 0 : i32
    %c0_i32_2 = arith.constant 0 : i32
    return %get3A_0, %c0_i32, %c0_i32_1 : i32, i32, i32
  }
  func.func @transform_5(%arg0: i32, %arg1: i32, %arg2: memref<17xi32, #tpu.memory_space<smem>>) -> (i32, i32) {
    %c0_i32 = arith.constant 0 : i32
    %c0_i32_0 = arith.constant 0 : i32
    %c0_i32_1 = arith.constant 0 : i32
    return %c0_i32, %c0_i32_0 : i32, i32
  }
  func.func @transform_6(%arg0: i32, %arg1: i32, %arg2: memref<17xi32, #tpu.memory_space<smem>>) -> (i32, i32) {
    %c0_i32 = arith.constant 0 : i32
    %c0_i32_0 = arith.constant 0 : i32
    %c0_i32_1 = arith.constant 0 : i32
    return %c0_i32, %c0_i32_0 : i32, i32
  }
}

</mosaic_0001>

<sc_bundles>
// kernel: scatter_offload_async_start
scs
__scs_entry_jumppad:
0x0: {  	(pc) =	sbr.rel $0x88, $3  }
0x1: {  	(tag) =	ssettag $0x0;
	lr =	simm.s32 $0x1  }
0x2: {  	[smem:$0x3F9A] =	sst lr;
	_ =	strace $0xD0000000  }
0x3: {  	_ = 	snop  }
0x4: {  	_ = 	snop  }
0x5: {  	_ = 	snop  }
0x6: {  	_ = 	snop  }
0x7: {  	_ = 	snop  }
__scs_overlays_trampoline_lowered:
0x8: {  	[smem:$0x3FA9] =	sst s0  }
0x9: {  	[smem:$0x3FAA] =	sst s1  }
0xa: {  	[smem:$0x3FAB] =	sst s2  }
0xb: {  	[smem:$0x3FAC] =	sst s3  }
0xc: {  	[smem:$0x3FAD] =	sst s4  }
0xd: {  	[smem:$0x3FAE] =	sst s5  }
0xe: {  	[smem:$0x3FAF] =	sst s6  }
0xf: {  	[smem:$0x3FB0] =	sst s7  }
0x10: {  	[smem:$0x3FB1] =	sst s8  }
0x11: {  	[smem:$0x3FB2] =	sst s9;
	s0 =	simm.s32 @!p0 $0x0  }
0x12: {  	s1 =	sld [smem:$0x3F98];
	s0 =	simm.s32 @p0 $0x1  }
0x13: {  	[smem:$0x3FB3] =	sst s0;
	s0 =	simm.s32 @!p1 $0x0  }
0x14: {  	s2 =	sld [smem:$0x3F97];
	s0 =	simm.s32 @p1 $0x1  }
0x15: {  	[smem:$0x3FB4] =	sst s0;
	s0 =	simm.s32 @!p2 $0x0  }
0x16: {  	s3 =	sld [smem:$0x3FDB];
	s0 =	simm.s32 @p2 $0x1  }
0x17: {  	s4 =	simm.s32 $0x1BF5;
	[smem:$0x3FB6] =	sst s0  }
0x18: {  	s0 =	sld [smem:$0x3F99];
	_ =	swait.ge [sflag:s4], $0x0  }
0x19: {  	s7 =	sld [smem:$0x3F9A]  }
0x1a: {  	s8 =	sadd.s32 $0xFFFFE003, lr  }
0x1b: {  	s9 =	sadd.s32 $0xFFFFFEF7, lr;
	s5 =	simm.s32 $0xFFFFFFFF;
	p2 =	slt.u32 s8, $0xFFFFF086  }
0x1c: {  	p1 =	slt.u32 s9, $0xF7A;
	s5 =	simm.s32 @!p2 $0x0  }
0x1d: {  	s5 =	simm.s32 @p1 $0x1;
	p0 =	seq.s32 s7, s2  }
0x1e: {  	s7 =	smul.u32 @!p0 $0xF7A, s2;
	p2 =	seq.s32 @!p0 s5, $0x0  }
0x1f: {  	s9 =	smul.u32 $0xF7A, s1;
	s8 =	simm.s32 @!p0 $0x1BF5;
	p2 =	por !p2, p0  }
0x20: {  	[sflag:s8] =	ssyncset.s32 @!p0 $0xFFFFF086;
	s6 =	sadd.s32 @!p0 s3, s7;
	s7 =	simm.s32 @!p0 $0x108  }
0x21: {  	s3 =	sadd.s32 s3, s9;
	s6 =	sadd.s32 @!p0 $0x88, s6;
	s7 =	simm.s32 @p2 $0x1082  }
0x22: {  	[simem:s7], [sflag:s8] =	dma.local @!p0 [hbm:s6], $0xF7A  }
0x23: {  	s9 =	sor.u32 $0xD0000000, s2;
	s6 =	simm.s32 $0x108;
	_ =	swait.ge @!p0 [sflag:s8], $0x0  }
0x24: {  	s3 =	sadd.s32 $0x88, s3;
	s6 =	simm.s32 @!p1 $0x1082;
	[sflag:s4] =	ssyncset.s32 $0xFFFFF086  }
0x25: {  	[simem:s6], [sflag:s4] =	dma.local [hbm:s3], $0xF7A  }
0x26: {  	[smem:$0x3F9A] =	sst s1;
	(tag) =	ssettag s2;
	_ =	strace s9  }
0x27: {  	s1 =	sld [smem:$0x3FAA]  }
0x28: {  	s2 =	sld [smem:$0x3FAB]  }
0x29: {  	s4 =	sld [smem:$0x3FAD]  }
0x2a: {  	p0 =	seq.s32 s5, $0x0;
	s5 =	sld [smem:$0x3FAE]  }
0x2b: {  	s6 =	sld [smem:$0x3FAF]  }
0x2c: {  	s7 =	sld [smem:$0x3FB0]  }
0x2d: {  	s3 =	simm.s32 $0x108;
	s8 =	sld [smem:$0x3FB1]  }
0x2e: {  	s3 =	simm.s32 @!p0 $0x1082;
	s9 =	sld [smem:$0x3FB2]  }
0x2f: {  	lr =	sadd.s32 s0, s3;
	s0 =	sld [smem:$0x3FA9]  }
0x30: {  	s3 =	sld [smem:$0x3FAC]  }
0x31: {  	[smem:$0x3FB5] =	sst s10  }
0x32: {  	s10 =	sld [smem:$0x3FB3];
	_ =	sdelay $0x3  }
0x33: {  	p0 =	seq.s32 s10, $0x1;
	s10 =	sld [smem:$0x3FB5];
	_ =	sdelay $0x3  }
0x34: {  	[smem:$0x3FB5] =	sst s10  }
0x35: {  	s10 =	sld [smem:$0x3FB4];
	_ =	sdelay $0x3  }
0x36: {  	p1 =	seq.s32 s10, $0x1;
	s10 =	sld [smem:$0x3FB5];
	_ =	sdelay $0x3  }
0x37: {  	[smem:$0x3FB5] =	sst s10  }
0x38: {  	s10 =	sld [smem:$0x3FB6]  }
0x39: {  	_ = 	snop;
	(pc) =	sbr.ind lr, $3  }
0x3a: {  	_ = 	snop  }
0x3b: {  	_ = 	snop  }
0x3c: {  	p2 =	seq.s32 s10, $0x1;
	s10 =	sld [smem:$0x3FB5]  }
0x3d: {  	_ =	shalt  }
0x3e: {  	_ =	shalt  }
0x3f: {  	_ =	shalt  }
0x40: {  	_ =	shalt  }
0x41: {  	_ =	shalt  }
0x42: {  	_ =	shalt  }
0x43: {  	_ =	shalt  }
0x44: {  	_ =	shalt  }
0x45: {  	_ =	shalt  }
0x46: {  	_ =	shalt  }
0x47: {  	_ =	shalt  }
0x48: {  	_ =	shalt  }
0x49: {  	_ =	shalt  }
0x4a: {  	_ =	shalt  }
0x4b: {  	_ =	shalt  }
0x4c: {  	_ =	shalt  }
0x4d: {  	_ =	shalt  }
0x4e: {  	_ =	shalt  }
0x4f: {  	_ =	shalt  }
0x50: {  	_ =	shalt  }
0x51: {  	_ =	shalt  }
0x52: {  	_ =	shalt  }
0x53: {  	_ =	shalt  }
0x54: {  	_ =	shalt  }
0x55: {  	_ =	shalt  }
0x56: {  	_ =	shalt  }
0x57: {  	_ =	shalt  }
0x58: {  	_ =	shalt  }
0x59: {  	_ =	shalt  }
0x5a: {  	_ =	shalt  }
0x5b: {  	_ =	shalt  }
0x5c: {  	_ =	shalt  }
0x5d: {  	_ =	shalt  }
0x5e: {  	_ =	shalt  }
0x5f: {  	_ =	shalt  }
0x60: {  	_ =	shalt  }
0x61: {  	_ =	shalt  }
0x62: {  	_ =	shalt  }
0x63: {  	_ =	shalt  }
0x64: {  	_ =	shalt  }
0x65: {  	_ =	shalt  }
0x66: {  	_ =	shalt  }
0x67: {  	_ =	shalt  }
0x68: {  	_ =	shalt  }
0x69: {  	_ =	shalt  }
0x6a: {  	_ =	shalt  }
0x6b: {  	_ =	shalt  }
0x6c: {  	_ =	shalt  }
0x6d: {  	_ =	shalt  }
0x6e: {  	_ =	shalt  }
0x6f: {  	_ =	shalt  }
0x70: {  	_ =	shalt  }
0x71: {  	_ =	shalt  }
0x72: {  	_ =	shalt  }
0x73: {  	_ =	shalt  }
0x74: {  	_ =	shalt  }
0x75: {  	_ =	shalt  }
0x76: {  	_ =	shalt  }
0x77: {  	_ =	shalt  }
0x78: {  	_ =	shalt  }
0x79: {  	_ =	shalt  }
0x7a: {  	_ =	shalt  }
0x7b: {  	_ =	shalt  }
0x7c: {  	_ =	shalt  }
0x7d: {  	_ =	shalt  }
0x7e: {  	_ =	shalt  }
0x7f: {  	_ =	shalt  }
0x80: {  	_ =	shalt  }
0x81: {  	_ =	shalt  }
0x82: {  	_ =	shalt  }
0x83: {  	_ =	shalt  }
0x84: {  	_ =	shalt  }
0x85: {  	_ =	shalt  }
0x86: {  	_ =	shalt  }
0x87: {  	_ =	shalt  }
.Lfunc_end0:
.L_simem_size_0:
called_computation_lowered:
.L_overlay_start_0:
0x88: {  	s0 =	sld [smem:$0x3FD9]  }
0x89: {  	s1 =	sld [smem:$0x3FFE];
	_ =	sdelay $0x3  }
0x8a: {  	s0 =	sadd.s32 s1, s0  }
0x8b: {  	[smem:$0x3FC1] =	sst s0  }
0x8c: {  	_ = 	snop  }
0x8d: {  	s0 =	sld [smem:$0x3FD0];
	_ =	sdelay $0x2  }
0x8e: {  	s13 =	simm.s32 $0xA;
	s2 =	simm.s32 $0x10  }
0x8f: {  	[smem:s2], [sflag:s13] =	dma.local [hbm:s0], $0x1  }
0x90: {  	_ =	swait.eq [sflag:s13], $0x1  }
0x91: {  	[sflag:s13] =	ssyncset.done $0x0  }
0x92: {  	[sflag:s13] =	ssyncadd.s32 $0xFFFFFFFF  }
0x93: {  	s14 =	sld [smem:$0x10];
	(tm) =	ssettm $0x1  }
0x94: {  	s15 =	sld [smem:$0x3FFB];
	_ =	sdelay $0x3  }
0x95: {  	_ =	strace s15  }
0x96: {  	s1 =	sld [smem:$0x3FFC];
	_ =	sdelay $0x3  }
0x97: {  	_ =	strace s1  }
0x98: {  	s1 =	sld [smem:$0x3FFD];
	_ =	sdelay $0x3  }
0x99: {  	_ =	strace s1  }
0x9a: {  	_ =	strace $0x8FFFFFFF  }
0x9b: {  	s16 =	sld [smem:$0x3FDB];
	_ =	sdelay $0x1  }
0x9c: {  	s17 =	simm.s32 $_scs_section_size  }
0x9d: {  	s3 =	simm.s32 $_size__tile_overlayer_lowered;
	s4 =	simm.s32 $_tile_overlayer_lowered  }
0x9e: {  	s20 =	simm.s32 $0x1BFF;
	s19 =	sshll.u32 s4, $0x1;
	s1 =	sadd.s32 s17, s16  }
0x9f: {  	s5 =	simm.s32 $0x0;
	s18 =	sshll.u32 s3, $0x1;
	s3 =	sadd.s32 s19, s1  }
0xa0: {  	[timem:s5], [sflag:s20] =	dma.local [hbm:s3], s18  }
0xa1: {  	_ =	swait.ge [sflag:s20], s18  }
0xa2: {  	s2 =	ssub.s32 $0x0, s18;
	[sflag:s20] =	ssyncset.done $0x0  }
0xa3: {  	[sflag:s20] =	ssyncadd.s32 s2;
	_ =	sdelay $0x1  }
0xa4: {  	s21 =	simm.s32 $0x1B8B  }
0xa5: {  	_ =	swait.ge [sflag:s21], $0x1  }
0xa6: {  	[sflag:s21] =	ssyncset.done $0x0  }
0xa7: {  	s23 =	simm.s32 $0x1B8E;
	s22 =	sld [smem:$0x3FFE];
	[sflag:s21] =	ssyncadd.s32 $0xFFFFFFFF  }
0xa8: {  	s24 =	simm.s32 $execute0_lowered;
	[smem:$0x3FD2] =	sst s23  }
0xa9: {  	s3 =	sshll.u32 s24, $0x1;
	_ =	strace $0x80000046;
	[dreg:$0x1] =	wrdreg $0xFFFFFFFF  }
0xaa: {  	s25 =	simm.s32 $_size_execute0_lowered;
	s1 =	sadd.s32 s1, s3;
	[dreg:$0x0] =	wrdreg $0x0  }
0xab: {  	s3 =	sshll.u32 s25, $0x1;
	[dreg:$0x2] =	wrdreg s1  }
0xac: {  	[dreg:$0x3] =	wrdreg s3  }
0xad: {  	[dreg:$0x4] =	wrdreg $0xC0  }
0xae: {  	_ =	task [dreg:s5], $0x5FFFF  }
0xaf: {  	[dreg:$0x1] =	wrdreg $0xFFFFFFFF  }
0xb0: {  	[dreg:$0x0] =	wrdreg $0x60  }
0xb1: {  	[dreg:$0x2] =	wrdreg s14  }
0xb2: {  	[dreg:$0x3] =	wrdreg s22  }
0xb3: {  	[dreg:$0x4] =	wrdreg $0x9  }
0xb4: {  	_ =	task.clear_ibuf [dreg:s5], $0x5FFFF;
	_ =	strace $0x90000046  }
0xb5: {  	s26 =	simm.s32 $0x9;
	_ =	strace $0x80000048  }
0xb6: {  	_ =	swait.ge [sflag:s26], $0x1  }
0xb7: {  	[sflag:s26] =	ssyncadd.s32 $0xFFFFFFFF  }
0xb8: {  	_ =	strace $0x90000048  }
0xb9: {  	_ =	sfence  }
0xba: {  	s28 =	sld [smem:$0x0];
	_ =	sdelay $0x1  }
0xbb: {  	s29 =	srdreg.scid  }
0xbc: {  	s30 =	sshll.u32 s29, $0xD;
	s31 =	sshrl.u32 s29, $0x2  }
0xbd: {  	s2 =	sand.u32 $0x4000, s30;
	s1 =	sand.u32 $0x1, s29;
	s0 =	sadd.s32 s31, s28  }
0xbe: {  	s1 =	sor.u32 s2, s1;
	s0 =	sshll.u32 s0, $0x11  }
0xbf: {  	s0 =	sor.u32 s0, s1  }
0xc0: {  	s0 =	sadd.s32 $0x8F2B, s0  }
0xc1: {  	[sflag:s0] =	ssyncadd.remote.s32 $0x1  }
0xc2: {  	_ =	sfence.sel $0xFFFF  }
0xc3: {  	[dreg:$0x0] =	wrdreg $0xFFFFFFFF;
	(pc) =	sbr.abs _section_cstart, $3  }
0xc4: {  	[dreg:$0x1] =	wrdreg $0xFFFFFFFF  }
0xc5: {  	_ =	task.clear_ibuf [dreg:s5], $0x2FFFF;
	_ =	strace $0x9FFFFFFF  }
0xc6: {  	(tm) =	ssettm $0x7FFFFFFF  }
0xc7: {  	_ =	shalt  }
tec
execute0_lowered:
.L_overlay_start_1:
0x0: {  	(tag) =	ssettag $0x1  }
0x1: {  	s1 =	rddreg [dreg:$0x0]  }
0x2: {  	s7 =	rddreg [dreg:$0x1]  }
0x3: {  	s0 =	rddreg [dreg:$0x2];
	_ =	strace $0x80000047;
	s2 =	simm.s32 $0x1  }
0x4: {  	v1 =	vimm.s32 $0xFFFFFFFF;
	[sflag:s2] =	ssyncpa.u1 $0x0  }
0x5: {  	[tilespmem:$0x10] =	vst v1  }
0x6: {  	v0 =	vimm.f32 $0.0e+00;
	[tilespmem:$0x20] =	vst v1  }
0x7: {  	[tilespmem:$0x30] =	vst v0  }
0x8: {  	[tilespmem:$0x40] =	vst v0  }
0x9: {  	[tilespmem:$0x50] =	vst v0  }
0xa: {  	s3 =	simm.s32 $0x0;
	s4 =	simm.s32 $0x0;
	s5 =	simm.s32 $0x2;
	[tilespmem:$0x60] =	vst v1  }
0xb: {  	s6 =	simm.s32 $0x8;
	s30 =	simm.s32 $0x9;
	s17 =	simm.s32 $0x100;
	[tilespmem:$0x70] =	vst v1  }
0xc: {  	s18 =	simm.s32 $0xF;
	s19 =	simm.s32 $0x30;
	s20 =	simm.s32 $0x0;
	[tilespmem:$0x80] =	vst v1  }
0xd: {  	s22 =	simm.s32 $0x0;
	s21 =	simm.s32 $0x0;
	s2 =	stileid.u32;
	v1 =	vimm.s32 $0x0;
	[tilespmem:$0xB0] =	vst v0  }
0xe: {  	p0 =	seq.s32 s2, $0x0;
	s10 =	sshll.u32 s2, $0x1;
	s13 =	sshllo.u32 s2, $0x1;
	[tilespmem:$0x90] =	vst v1  }
0xf: {  	[tilespmem:$0xA0] =	vst v1;
	s4 =	simm.s32 @!p0 $0x10;
	[sflag:s5] =	ssyncpa.u1 $0x0;
	s5 =	simm.s32 $0x7  }
.Ltmp0:
0x10: {  	s12 =	sor.u32 $0x81, s10;
	s14 =	sor.u32 $0x80, s10;
	(pc) =	sbr.rel .LBB2_1-.Ltmp0, $4  }
0x11: {  	s8 =	sshrl.u32 s4, $0x3;
	[sflag:s5] =	ssyncpa.u1 $0x0;
	s31 =	sshrl.u32 s4, $0x4  }
0x12: {  	s9 =	sadd.s32 s8, s7;
	[sflag:s6] =	ssyncpa.u1 $0x0;
	s7 =	sadd.s32 $0x400, s7  }
0x13: {  	vm0 =	vmmov $0xffff;
	s8 =	sxor.u32 $0x1, s31;
	[sflag:s30] =	ssyncpa.u1 $0x0;
	s9 =	sadd.s32 $0x200, s9  }
0x14: {  	v2 =	vlaneseq.u32;
	vm1 =	vmxor vm1, vm1;
	vm2 =	vmmov $0x1;
	s11 =	sor.u32 $0x2, s8;
	s15 =	sadd.s32 $0x3, s8;
	s16 =	sadd.s32 $0x1, s8  }
.LBB2_5:
0x15: {  	p0 =	slt.u32 s21, $0x3  }
0x16: {  	s21 =	sadd.s32 $0x1, s21;
	s22 =	simm.s32 @!p0 $0x2  }
0x17: {  	p1 =	sne.s32 s15, s21;
	_ =	swait.ge @!p0 [sflag:s22], $0x10  }
.Ltmp1:
0x18: {  	[sflag:s22] =	ssyncset.done @!p0 $0x0;
	(pc) =	sbr.rel @!p1 .LBB2_6-.Ltmp1, $4  }
0x19: {  	[sflag:s22] =	ssyncadd.s32 @!p0 $0xFFFFFFF0;
	s22 =	simm.s32 @!p0 $0x9  }
0x1a: {  	_ =	swait.ge @!p0 [sflag:s22], $0x10  }
0x1b: {  	[sflag:s22] =	ssyncset.done @!p0 $0x0  }
0x1c: {  	s20 =	sadd.s32 $0x10, s20;
	[sflag:s22] =	ssyncadd.s32 @!p0 $0xFFFFFFF0;
	s22 =	smov.u32 s4  }
.LBB2_1:
0x1d: {  	s23 =	sor.u32 s2, s21  }
0x1e: {  	p0 =	sne.s32 s23, $0x0  }
0x1f: {  	s31 =	sadd.s32 $0xFFFFFFFF, s21;
	s23 =	simm.s32 @!p0 $0x0;
	s24 =	simm.s32 @!p0 $0x100  }
0x20: {  	[tilespmem:s24], [sflag:$0x7] =	stream.linear.gather @!p0 [hbm4b:s9+s23], $0x10, $0x38;
	[tilespmem:$0x190] =	vst v63  }
0x21: {  	p0 =	sge.u32 s31, s8  }
.Ltmp2:
0x22: {  	_ = 	snop;
	(pc) =	sbr.rel @p0 .LBB2_3-.Ltmp2, $1  }
0x23: {  	_ =	sdelay $0x3  }
0x24: {  	p0 =	seq.s32 s21, $0x1;
	s23 =	simm.s32 $0x10  }
0x25: {  	s23 =	simm.s32 @!p0 $0x0  }
0x26: {  	s24 =	simm.s32 $0xFFFFFFF0;
	_ =	swait.ge [sflag:s5], s23  }
0x27: {  	s24 =	simm.s32 @!p0 $0x0;
	[sflag:s5] =	ssyncset.done $0x0  }
0x28: {  	[sflag:s5] =	ssyncadd.s32 s24;
	(ifvalue) =	ssetifvalue $0xFFFFFFFF;
	v3 =	vld.msk [tilespmem:s17+$0x0 ss:$0x1], $0xffff;
	_ =	sdelay $0x4  }
0x29: {  	v4 =	vshrl.u32 v3, $0x3;
	vm3 =	veq.s32 v3, $0x80000000;
	v3 =	vand.u32 $0x7, v3  }
0x2a: {  	v4 =	vand.u32 $0xF, v4;
	v3 =	vsel vm3, $0xFFFFFFFF, v3  }
0x2b: {  	v4 =	vsel vm3, $0xFFFFFFFF, v4;
	v6 =	vshll.u32 v3, $0x7;
	v3 =	vand.u32 $0xFFFFFC00, v3  }
0x2c: {  	v5 =	vand.u32 $0x7F, v4;
	v4 =	vand.u32 $0xFFFFFC00, v4;
	v6 =	vand.u32 $0x380, v6  }
0x2d: {  	p0 =	sne.s32 s21, $0x1;
	v3 =	vadd.s32 v3, v4;
	v4 =	vor.u32 v5, v6  }
0x2e: {  	v6 =	vimm.s32 @!p0 $0x0;
	v5 =	vor.u32 @!p0 v3, v4  }
0x2f: {  	v5 =	vperm.xlane @!p0 v5, v6  }
0x30: {  	vm3 =	veq.s32 v3, $0x0  }
0x31: {  	s30 =	sand.u32 $0x10, s20;
	v3 =	vnsel vm3, $0xFFFFFFFE, v4;
	vm3 =	vlt.u32 @!p0 v5, $0x400  }
0x32: {  	[tilespmem:s30+$0x60] =	vst v3;
	v3 =	vnsel @!p0 vm3, $0xFFFFFFFE, v5  }
0x33: {  	[tilespmem:$0x80] =	vst @!p0 v3  }
0x34: {  	v3 =	vld.msk [tilespmem:s17+$0x0 ss:$0x1], $0xffff;
	_ =	sdelay $0x4  }
0x35: {  	v59 =	vshrl.u32 v3, $0x3;
	vm3 =	veq.s32 v3, $0x80000000;
	v3 =	vand.u32 $0x7, v3  }
0x36: {  	v4 =	vand.u32 $0xF, v59;
	v3 =	vsel vm3, $0xFFFFFFFF, v3  }
0x37: {  	v4 =	vsel vm3, $0xFFFFFFFF, v4;
	v61 =	vshll.u32 v3, $0x7;
	v3 =	vand.u32 $0xFFFFFC00, v3  }
0x38: {  	v60 =	vand.u32 $0x7F, v4;
	v4 =	vand.u32 $0xFFFFFC00, v4;
	v6 =	vand.u32 $0x380, v61  }
0x39: {  	v3 =	vadd.s32 v3, v4;
	v62 =	vor.u32 v60, v6  }
0x3a: {  	v4 =	vor.u32 v3, v62  }
0x3b: {  	(xrf1) =	vunique.msk.u32 $0xffff, v4;
	_ =	sdelay $0xd  }
0x3c: {  	v63, _, _ =	vpop (xrf1)  }
0x3d: {  	vm3 =	veq.s32 v3, $0x0;
	vm4 =	veq.s32 v63, v2  }
0x3e: {  	vm4 =	vmand vm3, vm4  }
0x3f: {  	v3 =	vnsel vm4, $0xFFFFFFFF, v4;
	_ =	sdelay $0x2  }
0x40: {  	s23 =	sxor.u32 $0x10, s30  }
0x41: {  	s22 =	sshrl.u32 s22, $0x3;
	s31 =	sadd.s32 $0x110, s23;
	(ifvalue) =	ssetifvalue $0xFFFFFFFF  }
0x42: {  	[tilespmem:s31], [sflag:$0x8] =	stream.indirect_vreg.gather [hbm4b:s1+s3], $0x1, v3, vm0, $0x4038;
	v3 =	vnsel vm3, $0xFFFFFFFE, v3;
	[tilespmem:$0x190] =	vst v63  }
0x43: {  	s22 =	sadd.s32 s7, s22;
	s23 =	sadd.s32 $0x130, s23;
	[tilespmem:$0x100] =	vst v3  }
0x44: {  	[tilespmem:s23], [sflag:$0x8] =	stream.linear.gather [hbm:s22], $0x10, $0x38;
	[tilespmem:$0x190] =	vst v63  }
.LBB2_3:
0x45: {  	p0 =	slt.u32 s21, $0x2  }
0x46: {  	p1 =	sge.u32 @!p0 s21, s11  }
0x47: {  	p0 =	por p0, p1  }
.Ltmp3:
0x48: {  	_ = 	snop;
	(pc) =	sbr.rel @p0 .LBB2_5-.Ltmp3, $1  }
0x49: {  	_ =	sdelay $0x3  }
0x4a: {  	_ =	swait.ge [sflag:s6], $0x20  }
0x4b: {  	p0 =	sne.s32 s16, s21;
	[sflag:s6] =	ssyncset.done $0x0  }
0x4c: {  	s22 =	simm.s32 @!p0 $0x10F;
	s23 =	simm.s32 @!p0 $0x1;
	[sflag:s6] =	ssyncadd.s32 $0xFFFFFFE0  }
0x4d: {  	[spmem:s12] =	stream.linear.scatter @!p0 [tilespmem:s22], [sflag:$0x1], $0x1, $0x38;
	[tilespmem:$0x190] =	vst v63  }
0x4e: {  	_ =	swait.ge @!p0 [sflag:s23], $0x1  }
0x4f: {  	[sflag:s23] =	ssyncset.done @!p0 $0x0  }
0x50: {  	s22 =	sand.u32 $0x10, s20;
	[sflag:s23] =	ssyncadd.s32 @!p0 $0xFFFFFFFF  }
0x51: {  	s25 =	sxor.u32 $0x10, s22;
	v3 =	vld [tilespmem:s22+$0x10]  }
0x52: {  	v4 =	vld [tilespmem:s25+$0x60]  }
0x53: {  	v5 =	vld [tilespmem:$0x80];
	_ =	sdelay $0x2  }
0x54: {  	(v2sf) =	vpush v3, $0x0  }
0x55: {  	(v2sf) =	vpush v4, $0x0  }
0x56: {  	(v2sf) =	vpush v5, $0x0;
	_ =	sdelay $0xc  }
0x57: {  	s26 =	spop (v2sf)  }
0x58: {  	s28 =	spop (v2sf)  }
0x59: {  	s24 =	spop (v2sf)  }
0x5a: {  	p1 =	seq.s32 s26, s28;
	p2 =	seq.s32 s24, s26  }
0x5b: {  	p2 =	por p1, p2  }
0x5c: {  	v3 =	vpsel p2, $0xFFFFFFFF, v3  }
0x5d: {  	v56 =	vld [tilespmem:s22+$0x130];
	[tilespmem:s22+$0x10] =	vst.msk $0x1, v3  }
0x5e: {  	v3 =	vld [tilespmem:$0x30]  }
0x5f: {  	v6 =	vld [tilespmem:s22+$0x40];
	_ =	sdelay $0x3  }
0x60: {  	vm3 =	vmmov vm1;
	v4 =	vadd.f32 v56, v3  }
0x61: {  	vm4 =	vmmov vm2;
	vm3 =	vmmov @p1 vm2;
	v3 =	vadd.f32 v6, v3  }
0x62: {  	vm4 =	vmmov @p2 vm1;
	[tilespmem:s22+$0x130] =	vst.msk vm3, v4  }
0x63: {  	[tilespmem:s22+$0x170] =	vst.msk vm4, v3  }
0x64: {  	v3 =	vld [tilespmem:s22+$0x110];
	_ =	sdelay $0x4  }
0x65: {  	v3 =	vshift.insert v3, v0, s18  }
0x66: {  	s30 =	sor.u32 $0x40, s25  }
0x67: {  	[tilespmem:s30+$0x0] =	vst.msk $0x1, v3  }
0x68: {  	[tilespmem:s22+$0x11F] =	vst.msk $0x1, v0  }
0x69: {  	v3 =	vld [tilespmem:$0x100];
	_ =	sdelay $0x4  }
0x6a: {  	v3 =	vshift.insert v3, v1, s18;
	_ =	sdelay $0x1  }
0x6b: {  	[tilespmem:s25+$0x10] =	vst.msk $0x1, v3  }
0x6c: {  	v4 =	vld [tilespmem:s22+$0x130]  }
0x6d: {  	v57 =	vld [tilespmem:$0x100];
	_ =	sdelay $0x3  }
0x6e: {  	v4 =	vadd.f32 $0.0e+00, v4  }
0x6f: {  	vm3 =	vne.s32 v57, $0xFFFFFFFF  }
0x70: {  	(xrf2) =	vadd.seg.scan.f32 vm3, v4;
	_ =	sdelay $0x3  }
0x71: {  	v58 =	vperm.xlane v3, v1  }
0x72: {  	v7 =	vld [tilespmem:s22+$0x110]  }
0x73: {  	vm14 =	veq.s32 v57, v58;
	vm3 =	veq.s32 v57, v5  }
0x74: {  	vm5 =	vgt.u32 v57, $0xFFFFFFFD;
	vm4 =	vmor vm14, vm3  }
0x75: {  	vm4 =	vmor vm4, vm5  }
0x76: {  	v59 =	vsel vm4, $0xFFFFFFFF, v57  }
0x77: {  	v61 =	vsel vm3, $0x0, v7;
	v60, _, _ =	vpop (xrf2)  }
0x78: {  	v6 =	vadd.f32 v60, v61  }
0x79: {  	v62 =	vld [tilespmem:$0xA0]  }
0x7a: {  	s31 =	sadd.s32 $0x150, s22;
	v8 =	vld [tilespmem:$0x90];
	[tilespmem:s22+$0x150] =	vst v6;
	(ifvalue) =	ssetifvalue $0xFFFFFFFF  }
0x7b: {  	[hbm4b:s1+s3] =	stream.indirect_vreg.scatter [tilespmem:s31], [sflag:$0x2], $0x1, v59, vm0, $0x4038;
	[tilespmem:$0x190] =	vst v63  }
0x7c: {  	v4 =	vld [tilespmem:s22+$0x150];
	_ =	sdelay $0x4  }
0x7d: {  	v4 =	vshift.insert v4, v0, s18  }
0x7e: {  	vm15 =	veq.s32 v62, $0x1  }
0x7f: {  	vm4 =	vmor vm15, vm3;
	v5 =	vsel vm3, v60, v8;
	[tilespmem:s19+$0x0] =	vst.msk $0x1, v4  }
0x80: {  	v63 =	vsel vm4, $0x1, v1;
	[tilespmem:$0x90] =	vst v5  }
0x81: {  	s25 =	sadd.s32 @!p0 $0x15F, s22;
	[tilespmem:$0xA0] =	vst v63  }
0x82: {  	[spmem:s13] =	stream.linear.scatter @!p0 [tilespmem:s25], [sflag:$0x1], $0x1, $0x38;
	[tilespmem:$0x190] =	vst v63  }
0x83: {  	v4 =	vmctz.xlane @!p0 vm4;
	_ =	swait.ge @!p0 [sflag:s23], $0x1  }
0x84: {  	(v2sf) =	vpush @!p0 v3, $0x0  }
0x85: {  	(v2sf) =	vpush @!p0 v4, $0x0;
	_ =	sdelay $0xd  }
0x86: {  	s25 =	spop @!p0 (v2sf)  }
0x87: {  	s26 =	spop @!p0 (v2sf)  }
0x88: {  	p1 =	sne.s32 @!p0 s24, s25;
	p2 =	slt.s32 @!p0 s26, $0xF  }
0x89: {  	[sflag:s23] =	ssyncset.done @!p0 $0x0;
	p1 =	por p1, p0;
	p2 =	por !p2, p0  }
0x8a: {  	[sflag:s23] =	ssyncadd.s32 @!p0 $0xFFFFFFFF;
	v3 =	vimm.s32 @!p1 $0xFFFFFFFF;
	s26 =	simm.s32 @p2 $0xF  }
0x8b: {  	[tilespmem:$0x80] =	vst @!p1 v3;
	s24 =	sadd.s32 @!p0 $0x90, s26  }
0x8c: {  	[spmem:s10] =	stream.linear.scatter @!p0 [tilespmem:s24], [sflag:$0x1], $0x1, $0x38;
	[tilespmem:$0x190] =	vst v63  }
0x8d: {  	_ =	swait.ge @!p0 [sflag:s23], $0x1  }
0x8e: {  	[sflag:s23] =	ssyncset.done @!p0 $0x0  }
0x8f: {  	s24 =	simm.s32 @!p0 $0x80;
	[sflag:s23] =	ssyncadd.s32 @!p0 $0xFFFFFFFF  }
0x90: {  	[spmem:s14] =	stream.linear.scatter @!p0 [tilespmem:s24], [sflag:$0x1], $0x1, $0x38;
	[tilespmem:$0x190] =	vst v63  }
0x91: {  	_ =	swait.ge @!p0 [sflag:s23], $0x1  }
0x92: {  	[sflag:s23] =	ssyncset.done @!p0 $0x0  }
0x93: {  	[sflag:s23] =	ssyncadd.s32 @!p0 $0xFFFFFFFF;
	(ifvalue) =	ssetifvalue $0xFFFFFFFF;
	v3 =	vld [tilespmem:s22+$0x10];
	_ =	sdelay $0x3  }
.Ltmp4:
0x94: {  	_ = 	snop;
	(pc) =	sbr.rel .LBB2_5-.Ltmp4, $3  }
0x95: {  	_ =	sdelay $0x1  }
0x96: {  	s22 =	sadd.s32 $0x170, s22;
	(ifvalue) =	ssetifvalue $0xFFFFFFFF  }
0x97: {  	[hbm4b:s1+s3] =	stream.indirect_vreg.scatter [tilespmem:s22], [sflag:$0x9], $0x1, v3, vm0, $0x4038;
	[tilespmem:$0x190] =	vst v63  }
.LBB2_6:
0x98: {  	_ =	sfence.sel $0x180000  }
0x99: {  	s3 =	simm.s32 $0x7;
	[bflag:$0x0] =	sbarrier.arrive $0xFFFF  }
0x9a: {  	s26 =	simm.s32 $0x8;
	[sflag:s3] =	ssyncpa.u1 $0x1  }
0x9b: {  	s28 =	simm.s32 $0x9;
	[sflag:s26] =	ssyncpa.u1 $0x1  }
0x9c: {  	[sflag:s28] =	ssyncpa.u1 $0x1  }
0x9d: {  	_ =	sfence.stream.spmem  }
0x9e: {  	s29 =	simm.s32 $0x3;
	[bflag:$0x0] =	sbarrier.arrive $0xFFFF  }
0x9f: {  	s30 =	simm.s32 $0x4;
	[sflag:s29] =	ssyncpa.u1 $0x1  }
0xa0: {  	s31 =	simm.s32 $0x3C;
	[sflag:s30] =	ssyncpa.u1 $0x1  }
0xa1: {  	p0 =	sne.s32 s2, $0x0;
	[sflag:s31] =	ssyncpa.u1 $0x1  }
0xa2: {  	s0 =	simm.s32 @p0 $0x1;
	_ =	sfence @p0  }
0xa3: {  	[sflag:s0] =	ssyncpa.u1 @p0 $0x1;
	s0 =	simm.s32 @p0 $0x2  }
0xa4: {  	[sflag:s0] =	ssyncpa.u1 @p0 $0x1  }
0xa5: {  	_ =	strace @p0 $0x90000047  }
0xa6: {  	[bflag:$0x2] =	sbarrier.arrive @p0 $0xFFFF  }
0xa7: {  	_ =	shalt @p0  }
.LBB2_7:
0xa8: {  	_ =	sfence.stream.spmem;
	s4 =	simm.s32 $0x5  }
0xa9: {  	s2 =	simm.s32 $0x80;
	s3 =	simm.s32 $0xC0;
	[sflag:s4] =	ssyncpa.u1 $0x0  }
0xaa: {  	[tilespmem:s3], [sflag:$0x5] =	stream.linear.gather [spmem:s2], $0x2, $0x38;
	[tilespmem:$0x190] =	vst v63  }
0xab: {  	s2 =	simm.s32 $0x0;
	s3 =	simm.s32 $0xE0  }
0xac: {  	[tilespmem:s3], [sflag:$0x5] =	stream.linear.gather [spmem:s2], $0x2, $0x38;
	[tilespmem:$0x190] =	vst v63  }
.Ltmp5:
0xad: {  	_ = 	snop;
	(pc) =	sbr.rel .LBB2_8-.Ltmp5, $4  }
0xae: {  	_ =	swait.ge [sflag:s4], $0x4  }
0xaf: {  	[sflag:s4] =	ssyncset.done $0x0  }
0xb0: {  	s31 =	simm.s32 $0x6;
	[sflag:s4] =	ssyncadd.s32 $0xFFFFFFFC  }
0xb1: {  	p1 =	por $0x1, $0x1;
	s4 =	simm.s32 $0x0;
	[sflag:s31] =	ssyncpa.u1 $0x0  }
.LBB2_13:
0xb2: {  	p1 =	sgt.u32 s5, $0x3FF  }
0xb3: {  	s6 =	sshrl.u32 @!p1 s5, $0x3  }
0xb4: {  	s5 =	sand.u32 @!p1 $0x7, s5;
	s7 =	simm.s32 @!p1 $0xB0;
	s6 =	sadd.s32 @!p1 s1, s6  }
0xb5: {  	[tilespmem:s7], [sflag:$0x6] =	stream.linear.gather @!p1 [hbm4b:s6+s5], $0x1, $0x38;
	[tilespmem:$0x190] =	vst v63  }
0xb6: {  	s5 =	simm.s32 @!p1 $0x6  }
0xb7: {  	_ =	swait.ge @!p1 [sflag:s5], $0x1  }
0xb8: {  	[sflag:s5] =	ssyncset.done @!p1 $0x0  }
0xb9: {  	[sflag:s5] =	ssyncadd.s32 @!p1 $0xFFFFFFFF  }
0xba: {  	v2 =	vmov @!p1 s4;
	v1 =	vld.msk @!p1 [tilespmem:$0xB0], $0x1;
	_ =	sdelay $0x3  }
0xbb: {  	s5 =	simm.s32 @!p1 $0xE0  }
0xbc: {  	[tilespmem:v2+s5+$0x0], v1 =	vst.idx.ret.add.f32.msk @!p1 $0x1, v1  }
0xbd: {  	[tilespmem:s2+$0xC0] =	vst.msk $0x1, v0  }
0xbe: {  	v0 =	vld.msk [tilespmem:s4+$0xE0], $0x1;
	_ =	sdelay $0x4  }
0xbf: {  	[tilespmem:s2+$0xE0] =	vst.msk $0x1, v0;
	s2 =	sadd.s32 $0x1, s2  }
.LBB2_15:
.Ltmp6:
0xc0: {  	(pc) =	sbr.rel @!p0 .LBB2_16-.Ltmp6, $2  }
0xc1: {  	_ =	sdelay $0x2  }
0xc2: {  	s4 =	simm.s32 $0x1;
	p1 =	por $0x0, $0x0  }
.LBB2_8:
0xc3: {  	v0 =	vld.msk [tilespmem:s4+$0xC0], $0x1;
	_ =	sdelay $0x4  }
0xc4: {  	(v2sf) =	vpush v0, $0x0;
	_ =	sdelay $0xe  }
0xc5: {  	s5 =	spop (v2sf)  }
0xc6: {  	p2 =	seq.s32 s5, $0xFFFFFFFF  }
.Ltmp7:
0xc7: {  	_ = 	snop;
	(pc) =	sbr.rel @p2 .LBB2_15-.Ltmp7, $2  }
0xc8: {  	_ =	sdelay $0x2  }
0xc9: {  	p0 =	por p1, p1  }
0xca: {  	p1 =	slt.s32 s2, $0x1  }
.Ltmp8:
0xcb: {  	_ = 	snop;
	(pc) =	sbr.rel @p1 .LBB2_13-.Ltmp8, $1  }
0xcc: {  	_ =	sdelay $0x3  }
0xcd: {  	s6 =	simm.s32 $0xC0;
	p1 =	por $0x0, $0x0  }
0xce: {  	v1 =	vld.msk @!p1 [tilespmem:s6+$0x0], $0x1;
	_ =	sdelay $0x4  }
0xcf: {  	(v2sf) =	vpush @!p1 v1, $0x0;
	_ =	sdelay $0xd  }
0xd0: {  	p3 =	sne.s32 s2, $0x1  }
.Ltmp9:
0xd1: {  	s7 =	spop @!p1 (v2sf);
	(pc) =	sbr.rel @!p3 .LBB2_12-.Ltmp9, $4  }
0xd2: {  	p2 =	seq.s32 @!p1 s5, s7  }
0xd3: {  	s7 =	simm.s32 $0x0;
	p2 =	por !p2, p1  }
0xd4: {  	s9 =	simm.s32 $0xFFFFFFFF;
	s7 =	simm.s32 @p2 $0xFFFFFFFF  }
0xd5: {  	s8 =	simm.s32 $0x1;
	s7 =	smov.u32 @p1 s9  }
.LBB2_11:
0xd6: {  	s9 =	smov.u32 s7;
	p1 =	sne.s32 s7, $0xFFFFFFFF  }
0xd7: {  	s6 =	sadd.s32 $0x1, s6;
	s7 =	smov.u32 s8;
	s8 =	sadd.s32 $0x1, s8  }
0xd8: {  	p2 =	sne.s32 s2, s8;
	v1 =	vld.msk @!p1 [tilespmem:s6+$0x0], $0x1;
	_ =	sdelay $0x4  }
0xd9: {  	(v2sf) =	vpush @!p1 v1, $0x0;
	_ =	sdelay $0xe  }
.Ltmp10:
0xda: {  	s10 =	spop @!p1 (v2sf);
	(pc) =	sbr.rel @p2 .LBB2_11-.Ltmp10, $4  }
0xdb: {  	p3 =	seq.s32 @!p1 s5, s10  }
0xdc: {  	p3 =	por !p3, p1  }
0xdd: {  	s7 =	simm.s32 @p3 $0xFFFFFFFF  }
0xde: {  	s7 =	smov.u32 @p1 s9  }
.LBB2_12:
0xdf: {  	p1 =	sne.s32 s7, $0xFFFFFFFF  }
.Ltmp11:
0xe0: {  	_ = 	snop;
	(pc) =	sbr.rel @!p1 .LBB2_13-.Ltmp11, $1  }
0xe1: {  	_ =	sdelay $0x3  }
0xe2: {  	v0 =	vld.msk [tilespmem:s4+$0xE0], $0x1;
	v1 =	vmov s7  }
.Ltmp12:
0xe3: {  	_ = 	snop;
	(pc) =	sbr.rel .LBB2_15-.Ltmp12, $2  }
0xe4: {  	_ =	sdelay $0x2  }
0xe5: {  	[tilespmem:v1+s3+$0x0], v0 =	vst.idx.ret.add.f32.msk $0x1, v0  }
.LBB2_16:
0xe6: {  	p0 =	slt.s32 s2, $0x1  }
.Ltmp13:
0xe7: {  	_ = 	snop;
	(pc) =	sbr.rel @p0 .LBB2_20-.Ltmp13, $3  }
0xe8: {  	_ =	sdelay $0x1  }
0xe9: {  	s3 =	simm.s32 $0x6  }
0xea: {  	[sflag:s3] =	ssyncpa.u1 $0x1;
	s3 =	simm.s32 $0x0  }
0xeb: {  	s4 =	simm.s32 $0xC0  }
0xec: {  	v0 =	vld.msk [tilespmem:s4+$0x0], $0x1;
	_ =	sdelay $0x4  }
0xed: {  	(v2sf) =	vpush v0, $0x0;
	_ =	sdelay $0xe  }
0xee: {  	s2 =	sadd.s32 $0xFFFFFFFF, s2;
	s5 =	spop (v2sf)  }
0xef: {  	p1 =	sne.s32 s2, $0x0;
	p0 =	sgt.u32 s5, $0x3FF  }
.Ltmp14:
0xf0: {  	s6 =	sshrl.u32 @!p0 s5, $0x3;
	(pc) =	sbr.rel @!p1 .LBB2_19-.Ltmp14, $4  }
0xf1: {  	s4 =	simm.s32 $0xE0;
	s5 =	sand.u32 @!p0 $0x7, s5;
	s6 =	sadd.s32 @!p0 s1, s6  }
0xf2: {  	[hbm4b:s6+s5] =	stream.linear.scatter @!p0 [tilespmem:s4], [sflag:$0x5], $0x1, $0x38;
	[tilespmem:$0x190] =	vst v63  }
0xf3: {  	s6 =	simm.s32 $0x0  }
0xf4: {  	s5 =	simm.s32 $0xC1;
	s6 =	simm.s32 @!p0 $0x4  }
.LBB2_18:
0xf5: {  	v0 =	vld.msk [tilespmem:s5+$0x0], $0x1;
	s2 =	sadd.s32 $0xFFFFFFFF, s2;
	s3 =	sadd.s32 s3, s6  }
0xf6: {  	p0 =	sne.s32 s2, $0x0;
	_ =	sdelay $0x3  }
0xf7: {  	(v2sf) =	vpush v0, $0x0;
	_ =	sdelay $0xe  }
.Ltmp15:
0xf8: {  	s7 =	spop (v2sf);
	(pc) =	sbr.rel @p0 .LBB2_18-.Ltmp15, $4  }
0xf9: {  	s6 =	simm.s32 $0x0;
	p1 =	sgt.u32 s7, $0x3FF  }
0xfa: {  	s4 =	sadd.s32 $0x1, s4;
	s6 =	simm.s32 @!p1 $0x4;
	s8 =	sshrl.u32 @!p1 s7, $0x3  }
0xfb: {  	s5 =	sadd.s32 $0x1, s5;
	s7 =	sand.u32 @!p1 $0x7, s7;
	s8 =	sadd.s32 @!p1 s1, s8  }
0xfc: {  	[hbm4b:s8+s7] =	stream.linear.scatter @!p1 [tilespmem:s4], [sflag:$0x5], $0x1, $0x38;
	[tilespmem:$0x190] =	vst v63  }
.LBB2_19:
0xfd: {  	s1 =	sadd.s32 s3, s6  }
0xfe: {  	s3 =	sshrl.u32 s1, $0x2  }
.LBB2_20:
0xff: {  	s1 =	simm.s32 $0x5  }
0x100: {  	_ =	swait.ge [sflag:s1], s3  }
0x101: {  	s2 =	ssub.s32 $0x0, s3;
	[sflag:s1] =	ssyncset.done $0x0  }
0x102: {  	[sflag:s1] =	ssyncadd.s32 s2  }
0x103: {  	[sflag:s1] =	ssyncpa.u1 $0x1  }
0x104: {  	s30 =	simm.s32 $0x1;
	_ =	sfence  }
0x105: {  	s31 =	simm.s32 $0x2;
	[sflag:s30] =	ssyncpa.u1 $0x1  }
0x106: {  	[sflag:s31] =	ssyncpa.u1 $0x1  }
0x107: {  	_ =	strace $0x90000047  }
0x108: {  	s0 =	sadd.s32 $0x100000, s0;
	[bflag:$0x2] =	sbarrier.arrive $0xFFFF  }
0x109: {  	[sflag:s0] =	ssyncadd.tile.s32 $0x1;
	_ =	shalt  }
.Lfunc_end2:
_tile_overlayer_lowered:
.L_overlay_start_2:
0x10a: {  	(tag) =	ssettag $0x2  }
0x10b: {  	s0 =	rddreg [dreg:$0x0];
	s2 =	stileid.u32  }
0x10c: {  	s1 =	rddreg [dreg:$0x1];
	p0 =	sne.s32 s2, $0x0  }
0x10d: {  	s3 =	rddreg [dreg:$0x2];
	[bflag:$0x3] =	sbarrier.arrive $0xFFFF;
	s2 =	simm.s32 @!p0 $0x1C01  }
0x10e: {  	[timem:s3], [sflag:s2] =	dma.local @!p0 [hbm:s0], s1  }
0x10f: {  	s0 =	simm.s32 @!p0 $0x1  }
0x110: {  	_ =	swait.ge @!p0 [sflag:s0], s1  }
0x111: {  	s1 =	ssub.s32 @!p0 $0x0, s1;
	[sflag:s0] =	ssyncset.done @!p0 $0x0  }
0x112: {  	[sflag:s0] =	ssyncadd.s32 @!p0 s1  }
0x113: {  	[bflag:$0x3] =	sbarrier.arrive $0xFFFF  }
0x114: {  	_ =	shalt  }

</sc_bundles>
